<compile_context>
chip_gen: v7x
topology: tpu7x:2x2x1
jax: 0.10.2.dev20260603
libtpu: 0.0.44.dev20260713+nightly
codegen_flags: <defaults>
</compile_context>

<pallas_src>
import functools

import jax
import jax.numpy as jnp
from jax import lax
from jax.experimental import pallas as pl
from jax.experimental.pallas import tpu as pltpu
from jax.experimental.pallas import tpu_sc as plsc

_NUM_CORES = 1
_NUM_SUBCORES = 16
_NUM_WORKERS = _NUM_CORES * _NUM_SUBCORES
_BATCH = 256
_BPW = _BATCH // _NUM_WORKERS
_NQ = 1024
_LANES = 16
_WORDS = _NQ // 4
_STEPS = _WORDS // _LANES


def _ellipse_body(boxes_hbm, out_hbm, box_v, out_v):
  wid = lax.axis_index("s") * _NUM_CORES + lax.axis_index("c")
  pltpu.sync_copy(
      boxes_hbm.at[pl.ds(wid * (4 * _BPW), 4 * _BPW)],
      box_v.at[pl.ds(0, 4 * _BPW)],
  )
  lane = lax.iota(jnp.int32, _LANES)
  lane4 = lane * 4
  pxs = [((lane4 + k) & 31).astype(jnp.float32) for k in range(4)]
  py_half = (lane >> 3).astype(jnp.float32)
  weights = [jnp.int32(1 << (8 * k)) for k in range(4)]
  zero = jnp.zeros((_LANES,), jnp.int32)
  one = jnp.ones((_LANES,), jnp.float32)
  @plsc.parallel_loop(0, _BPW)
  def batch_body(i):
    bvec = box_v[pl.ds(4 * i, _LANES)]
    tcx = jnp.broadcast_to(bvec[0], (_LANES,)) * 32.0
    tcy = jnp.broadcast_to(bvec[1], (_LANES,)) * 32.0
    tw = jnp.broadcast_to(bvec[2], (_LANES,)) * 32.0
    th = jnp.broadcast_to(bvec[3], (_LANES,)) * 32.0
    ra = tw / 2.0 + 1e-06
    rb = th / 2.0 + 1e-06
    ia = one / (ra * ra)
    ib = one / (rb * rb)
    qxs = []
    for k in range(4):
      dx = tcx - pxs[k]
      qxs.append(dx * dx * ia)
    cyb = tcy - py_half

    @plsc.parallel_loop(0, _STEPS, unroll=4)
    def step_body(j):
      yv = jnp.broadcast_to(j.astype(jnp.float32), (_LANES,)) * 2.0
      dy = cyb - yv
      lim = one - dy * dy * ib
      acc = jnp.where(qxs[0] < lim, weights[0], zero)
      for k in range(1, 4):
        acc = acc + jnp.where(qxs[k] < lim, weights[k], zero)
      out_v[i, pl.ds(j * _LANES, _LANES)] = acc
  pltpu.sync_copy(out_v, out_hbm.at[pl.ds(wid * _BPW, _BPW)])


@jax.jit
def _ellipse_mask(boxes_flat):
  mesh = plsc.VectorSubcoreMesh(core_axis_name="c", subcore_axis_name="s", num_cores=1)
  f = functools.partial(
      pl.kernel,
      mesh=mesh,
      out_type=jax.ShapeDtypeStruct((_BATCH, _WORDS), jnp.int32),
      scratch_types=[
          pltpu.VMEM((4 * _BPW + _LANES,), jnp.float32),
          pltpu.VMEM((_BPW, _WORDS), jnp.int32),
      ],
  )(_ellipse_body)
  return f(boxes_flat)


def kernel(pred_logits, boxes):
  del pred_logits
  words = _ellipse_mask(boxes.reshape(_BATCH * 4))
  mask_bytes = lax.bitcast_convert_type(words, jnp.uint8).reshape(_BATCH, _NQ)
  return mask_bytes.astype(jnp.bool_)

# --- scband reference (transcript-rebuilt; emitter-appended) ---
"""Pipeline reference for scband-ellipse-matcher-34591666602170 (READ-ONLY COPY).

The authoritative reference and input builder live on the scoring server;
editing this copy changes nothing except your own understanding.
"""

import jax, jax.numpy as jnp
import numpy as np


def setup_inputs(seed: int = 0) -> dict:
    key = jax.random.key(seed)
    k1, k2 = jax.random.split(key)
    pred_logits = jax.random.normal(k1, (256, 1024, 91), dtype=jnp.float32)
    boxes = jax.random.uniform(k2, (256, 1, 4), dtype=jnp.float32)
    return {"pred_logits": pred_logits, "boxes": boxes}


def reference(pred_logits, boxes):
    # Faithful translation of EllipseMatcher.forward, vectorized over the batch.
    # The torch module returns, per batch element, the flattened query indices whose
    # grid point lies inside the target ellipse (a ragged list). In jax we return the
    # equivalent dense boolean membership mask [bs, num_queries]; np.where(mask[i]) in
    # row-major order reproduces exactly the original index tuple c (and d = zeros).
    bs, num_queries = pred_logits.shape[:2]
    len_feature = int(np.sqrt(num_queries))  # 32, matches the hardcoded generate_points(1, 32)
    ar = jnp.arange(0, 32, dtype=jnp.float32)  # stride = 1, size = 32
    px, py = jnp.meshgrid(ar, ar)  # indexing='xy' like np.meshgrid: points[0]=x, points[1]=y
    cx = boxes[:, 0, 0]
    cy = boxes[:, 0, 1]
    w = boxes[:, 0, 2]
    h = boxes[:, 0, 3]
    tcx = cx * len_feature
    tcy = cy * len_feature
    tw = w * len_feature
    th = h * len_feature
    a = jnp.square(tw / 2.0 + 1e-06)
    b = jnp.square(th / 2.0 + 1e-06)
    ell = (jnp.square(tcx[:, None, None] - px[None, :, :]) / a[:, None, None]
           + jnp.square(tcy[:, None, None] - py[None, :, :]) / b[:, None, None])
    mask = (ell < 1.0).reshape(bs, num_queries)
    return mask

if __name__ == "__main__":
    import jax
    _d = setup_inputs()
    print(jax.jit(kernel)(*tuple(_d.values())))

</pallas_src>

<mosaic_0001>
#map = affine_map<(d0, d1) -> (0)>
#map1 = affine_map<(d0, d1) -> (0, 0)>
module attributes {stable_mosaic.version = 14 : i64} {
  func.func @_ellipse_body(%arg0: i32, %arg1: i32, %arg2: memref<1024xf32, #tpu.memory_space<hbm>>, %arg3: memref<256x256xi32, #tpu.memory_space<hbm>>, %arg4: memref<80xf32, #tpu.memory_space<vmem>>, %arg5: memref<16x256xi32, #tpu.memory_space<vmem>>) attributes {dimension_semantics = [#tpu.dimension_semantics<core_parallel>, #tpu.dimension_semantics<subcore_parallel>], iteration_bounds = array<i64: 1, 16>, scalar_prefetch = 0 : i64, scratch_operands = 2 : i64, tpu.core_type = #tpu.core_type<sc_vector_subcore>, window_params = [{transform_indices = #map}, {transform_indices = #map1}]} {
    %mul3A = arith.constant 1 : i32
    %mul3A_0 = arith.muli %arg1, %mul3A : i32
    %add3A = arith.addi %mul3A_0, %arg0 : i32
    %mul3A_1 = arith.constant 64 : i32
    %mul3A_2 = arith.muli %add3A, %mul3A_1 : i32
    "tpu.region"() ({
      %run_scoped3A = tpu.sem_alloc : memref<!tpu.dma_semaphore, #tpu.memory_space<semaphore_mem>>
      %dma_start3A = arith.constant 0 : i32
      %dma_start3A_46 = tpu.memref_slice %arg4[%dma_start3A] : memref<80xf32, #tpu.memory_space<vmem>> -> memref<64xf32, #tpu.memory_space<vmem>>
      %dma_start3A_47 = tpu.memref_slice %arg2[%mul3A_2] : memref<1024xf32, #tpu.memory_space<hbm>> -> memref<64xf32, #tpu.memory_space<hbm>>
      %dma_start3A_48 = arith.constant 0 : i32
      %dma_start3A_49 = tpu.memref_slice %arg4[%dma_start3A_48] : memref<80xf32, #tpu.memory_space<vmem>> -> memref<64xf32, #tpu.memory_space<vmem>>
      %dma_start3A_50 = tpu.memref_slice %arg2[%mul3A_2] : memref<1024xf32, #tpu.memory_space<hbm>> -> memref<64xf32, #tpu.memory_space<hbm>>
      tpu.enqueue_dma source(%dma_start3A_50 : memref<64xf32, #tpu.memory_space<hbm>>) target(%dma_start3A_49 : memref<64xf32, #tpu.memory_space<vmem>>) target_semaphore(%run_scoped3A : memref<!tpu.dma_semaphore, #tpu.memory_space<semaphore_mem>>)
      %dma_wait3A = arith.constant 0 : i32
      %dma_wait3A_51 = tpu.memref_slice %arg4[%dma_wait3A] : memref<80xf32, #tpu.memory_space<vmem>> -> memref<64xf32, #tpu.memory_space<vmem>>
      %dma_wait3A_52 = tpu.memref_slice %arg2[%mul3A_2] : memref<1024xf32, #tpu.memory_space<hbm>> -> memref<64xf32, #tpu.memory_space<hbm>>
      %dma_wait3A_53 = arith.constant 0 : i32
      %dma_wait3A_54 = tpu.memref_slice %arg4[%dma_wait3A_53] : memref<80xf32, #tpu.memory_space<vmem>> -> memref<64xf32, #tpu.memory_space<vmem>>
      %dma_wait3A_55 = tpu.memref_slice %arg2[%mul3A_2] : memref<1024xf32, #tpu.memory_space<hbm>> -> memref<64xf32, #tpu.memory_space<hbm>>
      tpu.wait_dma2 semaphore(%run_scoped3A : memref<!tpu.dma_semaphore, #tpu.memory_space<semaphore_mem>>) src(%dma_wait3A_55 : memref<64xf32, #tpu.memory_space<hbm>>) dst(%dma_wait3A_54 : memref<64xf32, #tpu.memory_space<vmem>>)
      tpu.yield
    }) : () -> ()
    %iota3A = tpu.iota {dimensions = array<i32: 0>} : vector<16xi32>
    %mul3A_3 = arith.constant 4 : i32
    %mul3A_4 = vector.broadcast %mul3A_3 : i32 to vector<16xi32>
    %mul3A_5 = arith.muli %iota3A, %mul3A_4 : vector<16xi32>
    %add3A_6 = arith.constant 0 : i32
    %add3A_7 = vector.broadcast %add3A_6 : i32 to vector<16xi32>
    %add3A_8 = arith.addi %mul3A_5, %add3A_7 : vector<16xi32>
    %and3A = arith.constant 31 : i32
    %and3A_9 = vector.broadcast %and3A : i32 to vector<16xi32>
    %and3A_10 = arith.andi %add3A_8, %and3A_9 : vector<16xi32>
    %convert_element_type3A = arith.sitofp %and3A_10 : vector<16xi32> to vector<16xf32>
    %add3A_11 = arith.constant 1 : i32
    %add3A_12 = vector.broadcast %add3A_11 : i32 to vector<16xi32>
    %add3A_13 = arith.addi %mul3A_5, %add3A_12 : vector<16xi32>
    %and3A_14 = arith.constant 31 : i32
    %and3A_15 = vector.broadcast %and3A_14 : i32 to vector<16xi32>
    %and3A_16 = arith.andi %add3A_13, %and3A_15 : vector<16xi32>
    %convert_element_type3A_17 = arith.sitofp %and3A_16 : vector<16xi32> to vector<16xf32>
    %add3A_18 = arith.constant 2 : i32
    %add3A_19 = vector.broadcast %add3A_18 : i32 to vector<16xi32>
    %add3A_20 = arith.addi %mul3A_5, %add3A_19 : vector<16xi32>
    %and3A_21 = arith.constant 31 : i32
    %and3A_22 = vector.broadcast %and3A_21 : i32 to vector<16xi32>
    %and3A_23 = arith.andi %add3A_20, %and3A_22 : vector<16xi32>
    %convert_element_type3A_24 = arith.sitofp %and3A_23 : vector<16xi32> to vector<16xf32>
    %add3A_25 = arith.constant 3 : i32
    %add3A_26 = vector.broadcast %add3A_25 : i32 to vector<16xi32>
    %add3A_27 = arith.addi %mul3A_5, %add3A_26 : vector<16xi32>
    %and3A_28 = arith.constant 31 : i32
    %and3A_29 = vector.broadcast %and3A_28 : i32 to vector<16xi32>
    %and3A_30 = arith.andi %add3A_27, %and3A_29 : vector<16xi32>
    %convert_element_type3A_31 = arith.sitofp %and3A_30 : vector<16xi32> to vector<16xf32>
    %shift_right_arithmetic3A = arith.constant 3 : i32
    %shift_right_arithmetic3A_32 = vector.broadcast %shift_right_arithmetic3A : i32 to vector<16xi32>
    %shift_right_arithmetic3A_33 = arith.shrsi %iota3A, %shift_right_arithmetic3A_32 : vector<16xi32>
    %convert_element_type3A_34 = arith.sitofp %shift_right_arithmetic3A_33 : vector<16xi32> to vector<16xf32>
    %broadcast_in_dim3A = arith.constant 0 : i32
    %broadcast_in_dim3A_35 = vector.broadcast %broadcast_in_dim3A : i32 to vector<16xi32>
    %broadcast_in_dim3A_36 = arith.constant 1.000000e+00 : f32
    %broadcast_in_dim3A_37 = vector.broadcast %broadcast_in_dim3A_36 : f32 to vector<16xf32>
    %parallel_loop3A = arith.constant 0 : i32
    %parallel_loop3A_38 = arith.constant 16 : i32
    %parallel_loop3A_39 = arith.constant 1 : i32
    %parallel_loop3A_40 = arith.constant 1 : i32
    %parallel_loop3A_41 = arith.constant 256 : i32
    %parallel_loop3A_42 = arith.constant 65536 : i32
    %parallel_loop3A_43 = arith.constant 16777216 : i32
    scf.for %parallel_loop3A_46 = %parallel_loop3A to %parallel_loop3A_38 step %parallel_loop3A_39  : i32 {
      %parallel_loop3A_47 = arith.constant 4 : i32
      %parallel_loop3A_48 = arith.muli %parallel_loop3A_47, %parallel_loop3A_46 : i32
      %parallel_loop3A_49 = arith.index_cast %parallel_loop3A_48 : i32 to index
      %parallel_loop3A_50 = tpu.vector_load %arg4[%parallel_loop3A_49] {strides = array<i32>} : memref<80xf32, #tpu.memory_space<vmem>>, vector<16xf32>,
      %parallel_loop3A_51 = vector.shape_cast %parallel_loop3A_50 : vector<16xf32> to vector<16xf32>
      %parallel_loop3A_52 = vector.extract_strided_slice %parallel_loop3A_51 {offsets = [0], sizes = [1], strides = [1]} : vector<16xf32> to vector<1xf32>
      %parallel_loop3A_53 = vector.extract %parallel_loop3A_52[0] : f32 from vector<1xf32>
      %parallel_loop3A_54 = vector.broadcast %parallel_loop3A_53 : f32 to vector<16xf32>
      %parallel_loop3A_55 = arith.constant 3.200000e+01 : f32
      %parallel_loop3A_56 = vector.broadcast %parallel_loop3A_55 : f32 to vector<16xf32>
      %parallel_loop3A_57 = arith.mulf %parallel_loop3A_54, %parallel_loop3A_56 : vector<16xf32>
      %parallel_loop3A_58 = vector.extract_strided_slice %parallel_loop3A_51 {offsets = [1], sizes = [1], strides = [1]} : vector<16xf32> to vector<1xf32>
      %parallel_loop3A_59 = vector.extract %parallel_loop3A_58[0] : f32 from vector<1xf32>
      %parallel_loop3A_60 = vector.broadcast %parallel_loop3A_59 : f32 to vector<16xf32>
      %parallel_loop3A_61 = arith.constant 3.200000e+01 : f32
      %parallel_loop3A_62 = vector.broadcast %parallel_loop3A_61 : f32 to vector<16xf32>
      %parallel_loop3A_63 = arith.mulf %parallel_loop3A_60, %parallel_loop3A_62 : vector<16xf32>
      %parallel_loop3A_64 = vector.extract_strided_slice %parallel_loop3A_51 {offsets = [2], sizes = [1], strides = [1]} : vector<16xf32> to vector<1xf32>
      %parallel_loop3A_65 = vector.extract %parallel_loop3A_64[0] : f32 from vector<1xf32>
      %parallel_loop3A_66 = vector.broadcast %parallel_loop3A_65 : f32 to vector<16xf32>
      %parallel_loop3A_67 = arith.constant 3.200000e+01 : f32
      %parallel_loop3A_68 = vector.broadcast %parallel_loop3A_67 : f32 to vector<16xf32>
      %parallel_loop3A_69 = arith.mulf %parallel_loop3A_66, %parallel_loop3A_68 : vector<16xf32>
      %parallel_loop3A_70 = vector.extract_strided_slice %parallel_loop3A_51 {offsets = [3], sizes = [1], strides = [1]} : vector<16xf32> to vector<1xf32>
      %parallel_loop3A_71 = vector.extract %parallel_loop3A_70[0] : f32 from vector<1xf32>
      %parallel_loop3A_72 = vector.broadcast %parallel_loop3A_71 : f32 to vector<16xf32>
      %parallel_loop3A_73 = arith.constant 3.200000e+01 : f32
      %parallel_loop3A_74 = vector.broadcast %parallel_loop3A_73 : f32 to vector<16xf32>
      %parallel_loop3A_75 = arith.mulf %parallel_loop3A_72, %parallel_loop3A_74 : vector<16xf32>
      %parallel_loop3A_76 = arith.constant 2.000000e+00 : f32
      %parallel_loop3A_77 = vector.broadcast %parallel_loop3A_76 : f32 to vector<16xf32>
      %parallel_loop3A_78 = arith.divf %parallel_loop3A_69, %parallel_loop3A_77 : vector<16xf32>
      %parallel_loop3A_79 = arith.constant 9.99999997E-7 : f32
      %parallel_loop3A_80 = vector.broadcast %parallel_loop3A_79 : f32 to vector<16xf32>
      %parallel_loop3A_81 = arith.addf %parallel_loop3A_78, %parallel_loop3A_80 : vector<16xf32>
      %parallel_loop3A_82 = arith.constant 2.000000e+00 : f32
      %parallel_loop3A_83 = vector.broadcast %parallel_loop3A_82 : f32 to vector<16xf32>
      %parallel_loop3A_84 = arith.divf %parallel_loop3A_75, %parallel_loop3A_83 : vector<16xf32>
      %parallel_loop3A_85 = arith.constant 9.99999997E-7 : f32
      %parallel_loop3A_86 = vector.broadcast %parallel_loop3A_85 : f32 to vector<16xf32>
      %parallel_loop3A_87 = arith.addf %parallel_loop3A_84, %parallel_loop3A_86 : vector<16xf32>
      %parallel_loop3A_88 = arith.mulf %parallel_loop3A_81, %parallel_loop3A_81 : vector<16xf32>
      %parallel_loop3A_89 = arith.divf %broadcast_in_dim3A_37, %parallel_loop3A_88 : vector<16xf32>
      %parallel_loop3A_90 = arith.mulf %parallel_loop3A_87, %parallel_loop3A_87 : vector<16xf32>
      %parallel_loop3A_91 = arith.divf %broadcast_in_dim3A_37, %parallel_loop3A_90 : vector<16xf32>
      %parallel_loop3A_92 = arith.subf %parallel_loop3A_57, %convert_element_type3A : vector<16xf32>
      %parallel_loop3A_93 = arith.mulf %parallel_loop3A_92, %parallel_loop3A_92 : vector<16xf32>
      %parallel_loop3A_94 = arith.mulf %parallel_loop3A_93, %parallel_loop3A_89 : vector<16xf32>
      %parallel_loop3A_95 = arith.subf %parallel_loop3A_57, %convert_element_type3A_17 : vector<16xf32>
      %parallel_loop3A_96 = arith.mulf %parallel_loop3A_95, %parallel_loop3A_95 : vector<16xf32>
      %parallel_loop3A_97 = arith.mulf %parallel_loop3A_96, %parallel_loop3A_89 : vector<16xf32>
      %parallel_loop3A_98 = arith.subf %parallel_loop3A_57, %convert_element_type3A_24 : vector<16xf32>
      %parallel_loop3A_99 = arith.mulf %parallel_loop3A_98, %parallel_loop3A_98 : vector<16xf32>
      %parallel_loop3A_100 = arith.mulf %parallel_loop3A_99, %parallel_loop3A_89 : vector<16xf32>
      %parallel_loop3A_101 = arith.subf %parallel_loop3A_57, %convert_element_type3A_31 : vector<16xf32>
      %parallel_loop3A_102 = arith.mulf %parallel_loop3A_101, %parallel_loop3A_101 : vector<16xf32>
      %parallel_loop3A_103 = arith.mulf %parallel_loop3A_102, %parallel_loop3A_89 : vector<16xf32>
      %parallel_loop3A_104 = arith.subf %parallel_loop3A_63, %convert_element_type3A_34 : vector<16xf32>
      %parallel_loop3A_105 = arith.constant 0 : i32
      %parallel_loop3A_106 = arith.constant 16 : i32
      %parallel_loop3A_107 = arith.constant 1 : i32
      scf.for %parallel_loop3A_108 = %parallel_loop3A_105 to %parallel_loop3A_106 step %parallel_loop3A_107  : i32 {
        %parallel_loop3A_109 = arith.sitofp %parallel_loop3A_108 : i32 to f32
        %parallel_loop3A_110 = vector.broadcast %parallel_loop3A_109 : f32 to vector<16xf32>
        %parallel_loop3A_111 = arith.constant 2.000000e+00 : f32
        %parallel_loop3A_112 = vector.broadcast %parallel_loop3A_111 : f32 to vector<16xf32>
        %parallel_loop3A_113 = arith.mulf %parallel_loop3A_110, %parallel_loop3A_112 : vector<16xf32>
        %parallel_loop3A_114 = arith.subf %parallel_loop3A_104, %parallel_loop3A_113 : vector<16xf32>
        %parallel_loop3A_115 = arith.mulf %parallel_loop3A_114, %parallel_loop3A_114 : vector<16xf32>
        %parallel_loop3A_116 = arith.mulf %parallel_loop3A_115, %parallel_loop3A_91 : vector<16xf32>
        %parallel_loop3A_117 = arith.subf %broadcast_in_dim3A_37, %parallel_loop3A_116 : vector<16xf32>
        %parallel_loop3A_118 = arith.cmpf olt, %parallel_loop3A_94, %parallel_loop3A_117 : vector<16xf32>
        %parallel_loop3A_119 = vector.broadcast %parallel_loop3A_40 : i32 to vector<16xi32>
        %parallel_loop3A_120 = arith.select %parallel_loop3A_118, %parallel_loop3A_119, %broadcast_in_dim3A_35 : vector<16xi1>, vector<16xi32>
        %parallel_loop3A_121 = arith.cmpf olt, %parallel_loop3A_97, %parallel_loop3A_117 : vector<16xf32>
        %parallel_loop3A_122 = vector.broadcast %parallel_loop3A_41 : i32 to vector<16xi32>
        %parallel_loop3A_123 = arith.select %parallel_loop3A_121, %parallel_loop3A_122, %broadcast_in_dim3A_35 : vector<16xi1>, vector<16xi32>
        %parallel_loop3A_124 = arith.addi %parallel_loop3A_120, %parallel_loop3A_123 : vector<16xi32>
        %parallel_loop3A_125 = arith.cmpf olt, %parallel_loop3A_100, %parallel_loop3A_117 : vector<16xf32>
        %parallel_loop3A_126 = vector.broadcast %parallel_loop3A_42 : i32 to vector<16xi32>
        %parallel_loop3A_127 = arith.select %parallel_loop3A_125, %parallel_loop3A_126, %broadcast_in_dim3A_35 : vector<16xi1>, vector<16xi32>
        %parallel_loop3A_128 = arith.addi %parallel_loop3A_124, %parallel_loop3A_127 : vector<16xi32>
        %parallel_loop3A_129 = arith.cmpf olt, %parallel_loop3A_103, %parallel_loop3A_117 : vector<16xf32>
        %parallel_loop3A_130 = vector.broadcast %parallel_loop3A_43 : i32 to vector<16xi32>
        %parallel_loop3A_131 = arith.select %parallel_loop3A_129, %parallel_loop3A_130, %broadcast_in_dim3A_35 : vector<16xi1>, vector<16xi32>
        %parallel_loop3A_132 = arith.addi %parallel_loop3A_128, %parallel_loop3A_131 : vector<16xi32>
        %parallel_loop3A_133 = arith.constant 16 : i32
        %parallel_loop3A_134 = arith.muli %parallel_loop3A_108, %parallel_loop3A_133 : i32
        %parallel_loop3A_135 = arith.index_cast %parallel_loop3A_46 : i32 to index
        %parallel_loop3A_136 = arith.index_cast %parallel_loop3A_134 : i32 to index
        %parallel_loop3A_137 = tpu.vector_load %arg5[%parallel_loop3A_135, %parallel_loop3A_136] {strides = array<i32>} : memref<16x256xi32, #tpu.memory_space<vmem>>, vector<1x16xi32>,
        %parallel_loop3A_138 = vector.shape_cast %parallel_loop3A_137 : vector<1x16xi32> to vector<16xi32>
        %parallel_loop3A_139 = vector.shape_cast %parallel_loop3A_132 : vector<16xi32> to vector<1x16xi32>
        tpu.vector_store %arg5[%parallel_loop3A_135, %parallel_loop3A_136], %parallel_loop3A_139 {strides = array<i32>} : memref<16x256xi32, #tpu.memory_space<vmem>>, vector<1x16xi32>,
      } {sc.loop_unroll_factor = 4 : i64, sc.parallel_access}
    } {sc.loop_unroll_factor = 1 : i64, sc.parallel_access}
    %mul3A_44 = arith.constant 16 : i32
    %mul3A_45 = arith.muli %add3A, %mul3A_44 : i32
    "tpu.region"() ({
      %run_scoped3A = tpu.sem_alloc : memref<!tpu.dma_semaphore, #tpu.memory_space<semaphore_mem>>
      %dma_start3A = arith.constant 0 : i32
      %dma_start3A_46 = tpu.memref_slice %arg3[%mul3A_45, %dma_start3A] : memref<256x256xi32, #tpu.memory_space<hbm>> -> memref<16x256xi32, #tpu.memory_space<hbm>>
      %dma_start3A_47 = arith.constant 0 : i32
      %dma_start3A_48 = tpu.memref_slice %arg3[%mul3A_45, %dma_start3A_47] : memref<256x256xi32, #tpu.memory_space<hbm>> -> memref<16x256xi32, #tpu.memory_space<hbm>>
      tpu.enqueue_dma source(%arg5 : memref<16x256xi32, #tpu.memory_space<vmem>>) target(%dma_start3A_48 : memref<16x256xi32, #tpu.memory_space<hbm>>) target_semaphore(%run_scoped3A : memref<!tpu.dma_semaphore, #tpu.memory_space<semaphore_mem>>)
      %dma_wait3A = arith.constant 0 : i32
      %dma_wait3A_49 = tpu.memref_slice %arg3[%mul3A_45, %dma_wait3A] : memref<256x256xi32, #tpu.memory_space<hbm>> -> memref<16x256xi32, #tpu.memory_space<hbm>>
      %dma_wait3A_50 = arith.constant 0 : i32
      %dma_wait3A_51 = tpu.memref_slice %arg3[%mul3A_45, %dma_wait3A_50] : memref<256x256xi32, #tpu.memory_space<hbm>> -> memref<16x256xi32, #tpu.memory_space<hbm>>
      tpu.wait_dma2 semaphore(%run_scoped3A : memref<!tpu.dma_semaphore, #tpu.memory_space<semaphore_mem>>) src(%arg5 : memref<16x256xi32, #tpu.memory_space<vmem>>) dst(%dma_wait3A_51 : memref<16x256xi32, #tpu.memory_space<hbm>>)
      tpu.yield
    }) : () -> ()
    return
  }
}

</mosaic_0001>

<sc_bundles>
// kernel: _ellipse_mask.3.cloned.1.call-start
scs
__scs_entry_jumppad:
0x0: {  	(pc) =	sbr.rel $0x88, $3  }
0x1: {  	(tag) =	ssettag $0x0;
	lr =	simm.s32 $0x1  }
0x2: {  	[smem:$0x3FA0] =	sst lr;
	_ =	strace $0xD0000000  }
0x3: {  	_ = 	snop  }
0x4: {  	_ = 	snop  }
0x5: {  	_ = 	snop  }
0x6: {  	_ = 	snop  }
0x7: {  	_ = 	snop  }
__scs_overlays_trampoline_lowered:
0x8: {  	[smem:$0x3FAF] =	sst s0  }
0x9: {  	[smem:$0x3FB0] =	sst s1  }
0xa: {  	[smem:$0x3FB1] =	sst s2  }
0xb: {  	[smem:$0x3FB2] =	sst s3  }
0xc: {  	[smem:$0x3FB3] =	sst s4  }
0xd: {  	[smem:$0x3FB4] =	sst s5  }
0xe: {  	[smem:$0x3FB5] =	sst s6  }
0xf: {  	[smem:$0x3FB6] =	sst s7  }
0x10: {  	[smem:$0x3FB7] =	sst s8  }
0x11: {  	[smem:$0x3FB8] =	sst s9;
	s0 =	simm.s32 @!p0 $0x0  }
0x12: {  	s1 =	sld [smem:$0x3F9E];
	s0 =	simm.s32 @p0 $0x1  }
0x13: {  	[smem:$0x3FB9] =	sst s0;
	s0 =	simm.s32 @!p1 $0x0  }
0x14: {  	s2 =	sld [smem:$0x3F9D];
	s0 =	simm.s32 @p1 $0x1  }
0x15: {  	[smem:$0x3FBA] =	sst s0;
	s0 =	simm.s32 @!p2 $0x0  }
0x16: {  	s3 =	sld [smem:$0x3FDB];
	s0 =	simm.s32 @p2 $0x1  }
0x17: {  	s4 =	simm.s32 $0x1BF5;
	[smem:$0x3FBC] =	sst s0  }
0x18: {  	s0 =	sld [smem:$0x3F9F];
	_ =	swait.ge [sflag:s4], $0x0  }
0x19: {  	s7 =	sld [smem:$0x3FA0]  }
0x1a: {  	s8 =	sadd.s32 $0xFFFFE003, lr  }
0x1b: {  	s9 =	sadd.s32 $0xFFFFFEF7, lr;
	s5 =	simm.s32 $0xFFFFFFFF;
	p2 =	slt.u32 s8, $0xFFFFF086  }
0x1c: {  	p1 =	slt.u32 s9, $0xF7A;
	s5 =	simm.s32 @!p2 $0x0  }
0x1d: {  	s5 =	simm.s32 @p1 $0x1;
	p0 =	seq.s32 s7, s2  }
0x1e: {  	s7 =	smul.u32 @!p0 $0xF7A, s2;
	p2 =	seq.s32 @!p0 s5, $0x0  }
0x1f: {  	s9 =	smul.u32 $0xF7A, s1;
	s8 =	simm.s32 @!p0 $0x1BF5;
	p2 =	por !p2, p0  }
0x20: {  	[sflag:s8] =	ssyncset.s32 @!p0 $0xFFFFF086;
	s6 =	sadd.s32 @!p0 s3, s7;
	s7 =	simm.s32 @!p0 $0x108  }
0x21: {  	s3 =	sadd.s32 s3, s9;
	s6 =	sadd.s32 @!p0 $0x88, s6;
	s7 =	simm.s32 @p2 $0x1082  }
0x22: {  	[simem:s7], [sflag:s8] =	dma.local @!p0 [hbm:s6], $0xF7A  }
0x23: {  	s9 =	sor.u32 $0xD0000000, s2;
	s6 =	simm.s32 $0x108;
	_ =	swait.ge @!p0 [sflag:s8], $0x0  }
0x24: {  	s3 =	sadd.s32 $0x88, s3;
	s6 =	simm.s32 @!p1 $0x1082;
	[sflag:s4] =	ssyncset.s32 $0xFFFFF086  }
0x25: {  	[simem:s6], [sflag:s4] =	dma.local [hbm:s3], $0xF7A  }
0x26: {  	[smem:$0x3FA0] =	sst s1;
	(tag) =	ssettag s2;
	_ =	strace s9  }
0x27: {  	s1 =	sld [smem:$0x3FB0]  }
0x28: {  	s2 =	sld [smem:$0x3FB1]  }
0x29: {  	s4 =	sld [smem:$0x3FB3]  }
0x2a: {  	p0 =	seq.s32 s5, $0x0;
	s5 =	sld [smem:$0x3FB4]  }
0x2b: {  	s6 =	sld [smem:$0x3FB5]  }
0x2c: {  	s7 =	sld [smem:$0x3FB6]  }
0x2d: {  	s3 =	simm.s32 $0x108;
	s8 =	sld [smem:$0x3FB7]  }
0x2e: {  	s3 =	simm.s32 @!p0 $0x1082;
	s9 =	sld [smem:$0x3FB8]  }
0x2f: {  	lr =	sadd.s32 s0, s3;
	s0 =	sld [smem:$0x3FAF]  }
0x30: {  	s3 =	sld [smem:$0x3FB2]  }
0x31: {  	[smem:$0x3FBB] =	sst s10  }
0x32: {  	s10 =	sld [smem:$0x3FB9];
	_ =	sdelay $0x3  }
0x33: {  	p0 =	seq.s32 s10, $0x1;
	s10 =	sld [smem:$0x3FBB];
	_ =	sdelay $0x3  }
0x34: {  	[smem:$0x3FBB] =	sst s10  }
0x35: {  	s10 =	sld [smem:$0x3FBA];
	_ =	sdelay $0x3  }
0x36: {  	p1 =	seq.s32 s10, $0x1;
	s10 =	sld [smem:$0x3FBB];
	_ =	sdelay $0x3  }
0x37: {  	[smem:$0x3FBB] =	sst s10  }
0x38: {  	s10 =	sld [smem:$0x3FBC]  }
0x39: {  	_ = 	snop;
	(pc) =	sbr.ind lr, $3  }
0x3a: {  	_ = 	snop  }
0x3b: {  	_ = 	snop  }
0x3c: {  	p2 =	seq.s32 s10, $0x1;
	s10 =	sld [smem:$0x3FBB]  }
0x3d: {  	_ =	shalt  }
0x3e: {  	_ =	shalt  }
0x3f: {  	_ =	shalt  }
0x40: {  	_ =	shalt  }
0x41: {  	_ =	shalt  }
0x42: {  	_ =	shalt  }
0x43: {  	_ =	shalt  }
0x44: {  	_ =	shalt  }
0x45: {  	_ =	shalt  }
0x46: {  	_ =	shalt  }
0x47: {  	_ =	shalt  }
0x48: {  	_ =	shalt  }
0x49: {  	_ =	shalt  }
0x4a: {  	_ =	shalt  }
0x4b: {  	_ =	shalt  }
0x4c: {  	_ =	shalt  }
0x4d: {  	_ =	shalt  }
0x4e: {  	_ =	shalt  }
0x4f: {  	_ =	shalt  }
0x50: {  	_ =	shalt  }
0x51: {  	_ =	shalt  }
0x52: {  	_ =	shalt  }
0x53: {  	_ =	shalt  }
0x54: {  	_ =	shalt  }
0x55: {  	_ =	shalt  }
0x56: {  	_ =	shalt  }
0x57: {  	_ =	shalt  }
0x58: {  	_ =	shalt  }
0x59: {  	_ =	shalt  }
0x5a: {  	_ =	shalt  }
0x5b: {  	_ =	shalt  }
0x5c: {  	_ =	shalt  }
0x5d: {  	_ =	shalt  }
0x5e: {  	_ =	shalt  }
0x5f: {  	_ =	shalt  }
0x60: {  	_ =	shalt  }
0x61: {  	_ =	shalt  }
0x62: {  	_ =	shalt  }
0x63: {  	_ =	shalt  }
0x64: {  	_ =	shalt  }
0x65: {  	_ =	shalt  }
0x66: {  	_ =	shalt  }
0x67: {  	_ =	shalt  }
0x68: {  	_ =	shalt  }
0x69: {  	_ =	shalt  }
0x6a: {  	_ =	shalt  }
0x6b: {  	_ =	shalt  }
0x6c: {  	_ =	shalt  }
0x6d: {  	_ =	shalt  }
0x6e: {  	_ =	shalt  }
0x6f: {  	_ =	shalt  }
0x70: {  	_ =	shalt  }
0x71: {  	_ =	shalt  }
0x72: {  	_ =	shalt  }
0x73: {  	_ =	shalt  }
0x74: {  	_ =	shalt  }
0x75: {  	_ =	shalt  }
0x76: {  	_ =	shalt  }
0x77: {  	_ =	shalt  }
0x78: {  	_ =	shalt  }
0x79: {  	_ =	shalt  }
0x7a: {  	_ =	shalt  }
0x7b: {  	_ =	shalt  }
0x7c: {  	_ =	shalt  }
0x7d: {  	_ =	shalt  }
0x7e: {  	_ =	shalt  }
0x7f: {  	_ =	shalt  }
0x80: {  	_ =	shalt  }
0x81: {  	_ =	shalt  }
0x82: {  	_ =	shalt  }
0x83: {  	_ =	shalt  }
0x84: {  	_ =	shalt  }
0x85: {  	_ =	shalt  }
0x86: {  	_ =	shalt  }
0x87: {  	_ =	shalt  }
.Lfunc_end0:
.L_simem_size_0:
called_computation_lowered:
.L_overlay_start_0:
0x88: {  	s0 =	sld [smem:$0x3FD9]  }
0x89: {  	s1 =	sld [smem:$0x3FFE];
	_ =	sdelay $0x3  }
0x8a: {  	s0 =	sadd.s32 s1, s0  }
0x8b: {  	[smem:$0x3FC7] =	sst s0  }
0x8c: {  	_ = 	snop  }
0x8d: {  	s0 =	sld [smem:$0x3FC9]  }
0x8e: {  	s17 =	sld [smem:$0x3FD0];
	(tm) =	ssettm $0x1  }
0x8f: {  	s2 =	sld [smem:$0x3FFB];
	_ =	sdelay $0x3  }
0x90: {  	_ =	strace s2  }
0x91: {  	s2 =	sld [smem:$0x3FFC];
	_ =	sdelay $0x3  }
0x92: {  	_ =	strace s2  }
0x93: {  	s2 =	sld [smem:$0x3FFD];
	_ =	sdelay $0x3  }
0x94: {  	_ =	strace s2  }
0x95: {  	_ =	strace $0x8FFFFFFF  }
0x96: {  	s18 =	sld [smem:$0x3FDB];
	_ =	sdelay $0x1  }
0x97: {  	s3 =	simm.s32 $_scs_section_size  }
0x98: {  	s4 =	simm.s32 $_size__tile_overlayer_lowered;
	s5 =	simm.s32 $_tile_overlayer_lowered  }
0x99: {  	s21 =	simm.s32 $0x1BFF;
	s20 =	sshll.u32 s5, $0x1;
	s2 =	sadd.s32 s3, s18  }
0x9a: {  	s6 =	simm.s32 $0x0;
	s19 =	sshll.u32 s4, $0x1;
	s4 =	sadd.s32 s20, s2  }
0x9b: {  	[timem:s6], [sflag:s21] =	dma.local [hbm:s4], s19  }
0x9c: {  	_ =	swait.ge [sflag:s21], s19  }
0x9d: {  	s3 =	ssub.s32 $0x0, s19;
	[sflag:s21] =	ssyncset.done $0x0  }
0x9e: {  	[sflag:s21] =	ssyncadd.s32 s3;
	_ =	sdelay $0x1  }
0x9f: {  	s22 =	simm.s32 $0x1B8B  }
0xa0: {  	_ =	swait.ge [sflag:s22], $0x1  }
0xa1: {  	[sflag:s22] =	ssyncset.done $0x0  }
0xa2: {  	s23 =	simm.s32 $0x1B8E;
	[sflag:s22] =	ssyncadd.s32 $0xFFFFFFFF  }
0xa3: {  	s24 =	simm.s32 $execute0_lowered;
	[smem:$0x3FD2] =	sst s23  }
0xa4: {  	s3 =	sshll.u32 s24, $0x1;
	_ =	strace $0x80000046;
	[dreg:$0x1] =	wrdreg $0xFFFFFFFF  }
0xa5: {  	s25 =	simm.s32 $_size_execute0_lowered;
	s2 =	sadd.s32 s2, s3;
	[dreg:$0x0] =	wrdreg $0x0  }
0xa6: {  	s3 =	sshll.u32 s25, $0x1;
	[dreg:$0x2] =	wrdreg s2  }
0xa7: {  	[dreg:$0x3] =	wrdreg s3  }
0xa8: {  	[dreg:$0x4] =	wrdreg $0xC0  }
0xa9: {  	_ =	task [dreg:s6], $0x5FFFF  }
0xaa: {  	[dreg:$0x1] =	wrdreg $0xFFFFFFFF  }
0xab: {  	[dreg:$0x0] =	wrdreg $0x60  }
0xac: {  	[dreg:$0x2] =	wrdreg s0  }
0xad: {  	[dreg:$0x3] =	wrdreg s17  }
0xae: {  	[dreg:$0x4] =	wrdreg $0x9  }
0xaf: {  	_ =	task.clear_ibuf [dreg:s6], $0x5FFFF;
	_ =	strace $0x90000046  }
0xb0: {  	s26 =	simm.s32 $0x9;
	_ =	strace $0x80000048  }
0xb1: {  	_ =	swait.ge [sflag:s26], $0x1  }
0xb2: {  	[sflag:s26] =	ssyncadd.s32 $0xFFFFFFFF  }
0xb3: {  	_ =	strace $0x90000048  }
0xb4: {  	_ =	sfence  }
0xb5: {  	s28 =	sld [smem:$0x0];
	_ =	sdelay $0x1  }
0xb6: {  	s29 =	srdreg.scid  }
0xb7: {  	s30 =	sshll.u32 s29, $0xD;
	s31 =	sshrl.u32 s29, $0x2  }
0xb8: {  	s1 =	sand.u32 $0x1, s29;
	s2 =	sand.u32 $0x4000, s30;
	s0 =	sadd.s32 s31, s28  }
0xb9: {  	s1 =	sor.u32 s2, s1;
	s0 =	sshll.u32 s0, $0x11  }
0xba: {  	s0 =	sor.u32 s0, s1  }
0xbb: {  	s0 =	sadd.s32 $0x8F2B, s0  }
0xbc: {  	[sflag:s0] =	ssyncadd.remote.s32 $0x1  }
0xbd: {  	_ =	sfence.sel $0xFFFF  }
0xbe: {  	[dreg:$0x0] =	wrdreg $0xFFFFFFFF;
	(pc) =	sbr.abs _section_cstart, $3  }
0xbf: {  	[dreg:$0x1] =	wrdreg $0xFFFFFFFF  }
0xc0: {  	_ =	task.clear_ibuf [dreg:s6], $0x2FFFF;
	_ =	strace $0x9FFFFFFF  }
0xc1: {  	(tm) =	ssettm $0x7FFFFFFF  }
tec
execute0_lowered:
.L_overlay_start_1:
0x0: {  	(tag) =	ssettag $0x1  }
0x1: {  	v0 =	vimm.f32 $-2.800000000e+01;
	vm13 =	vcmask $0x300  }
0x2: {  	vm12 =	vcmask $0x704;
	vm11 =	vcmask $0xB08;
	vm10 =	vcmask $0xF0C  }
0x3: {  	vm9 =	vcmask $0x1310;
	vm8 =	vcmask $0x1714;
	vm7 =	vcmask $0x1B18  }
0x4: {  	vm6 =	vcmask $0x2320;
	vm5 =	vcmask $0x2724;
	vm3 =	vcmask $0x2B28  }
0x5: {  	vm1 =	vcmask $0x2F2C;
	vm0 =	vcmask $0x3330;
	v1 =	vimm.f32 $2.000000000e+00  }
0x6: {  	s4 =	rddreg [dreg:$0x0];
	vm4 =	vcmask $0x3734;
	vm2 =	vcmask $0x3B38;
	v2 =	vimm.f32 $-3.000000000e+01  }
0x7: {  	s1 =	rddreg [dreg:$0x1];
	s2 =	simm.s32 $0x0;
	v3 =	vimm.f32 $-3.100000000e+01;
	vm15 =	vcmask $0x1F00;
	v0 =	vsel vm13, $0x80000000, v0  }
0x8: {  	[smem:$0x7FF] =	sst s2;
	v2 =	vsel vm13, $0xC0000000, v2;
	v3 =	vsel vm13, $0xC0400000, v3;
	v0 =	vsel vm12, $0xC0800000, v0  }
0x9: {  	s0 =	rddreg [dreg:$0x2];
	_ =	strace $0x80000047;
	v2 =	vsel vm12, $0xC0C00000, v2;
	v3 =	vsel vm12, $0xC0E00000, v3;
	v0 =	vsel vm11, $0xC1000000, v0  }
0xa: {  	(erf) = vrcp.f32 v1;
	v1 =	vimm.f32 $-2.900000000e+01;
	v2 =	vsel vm11, $0xC1200000, v2  }
0xb: {  	v3 =	vsel vm11, $0xC1300000, v3;
	v0 =	vsel vm10, $0xC1400000, v0;
	v1 =	vsel vm13, $0xBF800000, v1  }
0xc: {  	v2 =	vsel vm10, $0xC1600000, v2;
	v3 =	vsel vm10, $0xC1700000, v3;
	v1 =	vsel vm12, $0xC0A00000, v1  }
0xd: {  	v0 =	vsel vm9, $0xC1800000, v0;
	v2 =	vsel vm9, $0xC1900000, v2;
	v1 =	vsel vm11, $0xC1100000, v1  }
0xe: {  	v3 =	vsel vm9, $0xC1980000, v3;
	v0 =	vsel vm8, $0xC1A00000, v0;
	v1 =	vsel vm10, $0xC1500000, v1  }
0xf: {  	v2 =	vsel vm8, $0xC1B00000, v2;
	v3 =	vsel vm8, $0xC1B80000, v3;
	v1 =	vsel vm9, $0xC1880000, v1  }
0x10: {  	v0 =	vsel vm7, $0xC1C00000, v0;
	v2 =	vsel vm7, $0xC1D00000, v2;
	v1 =	vsel vm8, $0xC1A80000, v1  }
0x11: {  	v3 =	vsel vm7, $0xC1D80000, v3;
	v0 =	vsel vm6, $0x80000000, v0;
	v1 =	vsel vm7, $0xC1C80000, v1  }
0x12: {  	v2 =	vsel vm6, $0xC0000000, v2;
	v3 =	vsel vm6, $0xC0400000, v3;
	v1 =	vsel vm6, $0xBF800000, v1  }
0x13: {  	v0 =	vsel vm5, $0xC0800000, v0;
	v2 =	vsel vm5, $0xC0C00000, v2;
	v1 =	vsel vm5, $0xC0A00000, v1  }
0x14: {  	v3 =	vsel vm5, $0xC0E00000, v3;
	v0 =	vsel vm3, $0xC1000000, v0;
	v1 =	vsel vm3, $0xC1100000, v1  }
0x15: {  	s3 =	stileid.u32;
	v2 =	vsel vm3, $0xC1200000, v2;
	v3 =	vsel vm3, $0xC1300000, v3;
	v1 =	vsel vm1, $0xC1500000, v1  }
0x16: {  	s5 =	sshll.u32 s3, $0x3;
	v0 =	vsel vm1, $0xC1400000, v0;
	v2 =	vsel vm1, $0xC1600000, v2;
	v6 =	vsel vm1, $0xC1700000, v3  }
0x17: {  	s31 =	simm.s32 $0x1;
	s4 =	sadd.s32 s4, s5;
	v0 =	vsel vm0, $0xC1800000, v0;
	v2 =	vsel vm0, $0xC1900000, v2;
	v4 =	vsel vm0, $0xC1880000, v1  }
0x18: {  	[tilespmem:s2], [sflag:$0x1] =	stream.linear.gather [hbm4b:s4+s2], $0x40, $0x38;
	v0 =	vsel vm4, $0xC1A00000, v0;
	v5 =	vsel vm4, $0xC1B00000, v2;
	v4 =	vsel vm4, $0xC1A80000, v4;
	v1 =	vpop (erf);
	[tilespmem:$0x1080] =	vst v63  }
0x19: {  	v0 =	vsel vm2, $0xC1C00000, v0;
	v2 =	vsel vm2, $0xC1C80000, v4;
	v4 =	vsel vm0, $0xC1980000, v6;
	_ =	swait.ge [sflag:s31], $0x40  }
0x1a: {  	v3 =	vsel vm2, $0xC1D00000, v5;
	v5 =	vimm.f32 $-1.000000000e+00;
	v4 =	vsel vm4, $0xC1B80000, v4;
	[sflag:s31] =	ssyncset.done $0x0  }
0x1b: {  	s4 =	simm.s32 $0x0;
	v5 =	vsel vm15, $0x80000000, v5;
	v6 =	vimm.s32 $0x0;
	v4 =	vsel vm2, $0xC1D80000, v4;
	[sflag:s31] =	ssyncadd.s32 $0xFFFFFFC0  }
.LBB2_1:
0x1c: {  	s5 =	sshll.u32 s4, $0x2  }
0x1d: {  	s5 =	sand.u32 $0x3FFFFFFC, s5  }
0x1e: {  	v7 =	vld [tilespmem:s5+$0x0];
	_ =	sdelay $0x4  }
0x1f: {  	v7 =	vmul.f32 $3.200000000e+01, v7;
	_ =	sdelay $0x1  }
0x20: {  	v8 =	vbroadcast v7, $0x2;
	_ =	sdelay $0x1  }
0x21: {  	v8 =	vmul.f32 v8, v1;
	_ =	sdelay $0x1  }
0x22: {  	v8 =	vadd.f32 $9.999999970e-07, v8;
	_ =	sdelay $0x1  }
0x23: {  	v9 =	vbroadcast v7, $0x3;
	v8 =	vmul.f32 v8, v8;
	_ =	sdelay $0x1  }
0x24: {  	(erf) = vrcp.f32 v8;
	v8 =	vmul.f32 v9, v1;
	_ =	sdelay $0x1  }
0x25: {  	s6 =	simm.s32 $0x2;
	v8 =	vadd.f32 $9.999999970e-07, v8  }
0x26: {  	s6 =	scvt.s32.f32 s6;
	v12 =	vbroadcast v7, $0x0  }
0x27: {  	s26 =	simm.s32 $0x1;
	v8 =	vmul.f32 v8, v8  }
0x28: {  	s5 =	scvt.s32.f32 s26;
	v11 =	vmov s6;
	v9 =	vadd.f32 v0, v12  }
0x29: {  	s7 =	simm.s32 $0x3;
	v11 =	vadd.f32 s6, v11;
	(erf) = vrcp.f32 v8  }
0x2a: {  	s28 =	scvt.s32.f32 s7;
	v10 =	vadd.f32 v2, v12;
	v8 =	vmul.f32 v9, v9;
	v9 =	vmov s5  }
0x2b: {  	v7 =	vbroadcast v7, $0x1;
	v9 =	vadd.f32 s5, v9  }
0x2c: {  	v16 =	vmov s28;
	v11 =	vbroadcast v11, $0x0;
	v13 =	vmul.f32 v10, v10  }
0x2d: {  	v15 =	vadd.f32 v3, v12;
	v10 =	vadd.f32 v5, v7;
	v14 =	vpop (erf);
	v7 =	vbroadcast v9, $0x0  }
0x2e: {  	s29 =	scvt.s32.f32 s2;
	v12 =	vadd.f32 v4, v12;
	v9 =	vmul.f32 v14, v13;
	v13 =	vadd.f32 s28, v16  }
0x2f: {  	v15 =	vmul.f32 v15, v15;
	v7 =	vsub.f32 v10, v7  }
0x30: {  	v17 =	vsub.f32 v10, v11;
	v12 =	vmul.f32 v12, v12;
	v16 =	vmov s29  }
0x31: {  	v16 =	vadd.f32 s29, v16;
	v18 =	vbroadcast v13, $0x0;
	v7 =	vmul.f32 v7, v7  }
0x32: {  	v11 =	vmul.f32 v14, v15;
	v15 =	vmul.f32 v17, v17;
	v13 =	vpop (erf)  }
0x33: {  	v16 =	vbroadcast v16, $0x0;
	v17 =	vsub.f32 v10, v18;
	v7 =	vmul.f32 v7, v13  }
0x34: {  	s30 =	sshll.u32 s4, $0x7;
	v8 =	vmul.f32 v14, v8;
	v15 =	vmul.f32 v15, v13  }
0x35: {  	s5 =	sand.u32 $0x380, s30;
	v16 =	vsub.f32 v10, v16;
	v17 =	vmul.f32 v17, v17;
	v18 =	vsub.f32 $1.000000000e+00, v7  }
0x36: {  	v12 =	vmul.f32 v14, v12;
	v7 =	vmov s5;
	v19 =	vsub.f32 $1.000000000e+00, v15  }
0x37: {  	v15 =	vmul.f32 v16, v16;
	v14 =	vmul.f32 v17, v13;
	vm0 =	vlt.f32 v8, v18  }
0x38: {  	vm1 =	vlt.f32 v9, v18;
	vm2 =	vlt.f32 v11, v18;
	vm3 =	vlt.f32 v9, v19  }
0x39: {  	v15 =	vmul.f32 v15, v13;
	v16 =	vsel vm0, $0x1, v6;
	v17 =	vsel vm1, $0x100, v6  }
0x3a: {  	v20 =	vsel vm2, $0x10000, v6;
	vm0 =	vlt.f32 v12, v18;
	vm1 =	vlt.f32 v11, v19  }
0x3b: {  	v21 =	vsel vm3, $0x100, v6;
	vm2 =	vlt.f32 v12, v19;
	vm3 =	vlt.f32 v8, v19  }
0x3c: {  	s31 =	sshll.u32 s4, $0x8;
	s13 =	simm.s32 $0x4;
	s10 =	sand.u32 $0x400, s2;
	v16 =	vor.u32 v16, v17;
	v17 =	vsub.f32 $1.000000000e+00, v15;
	v19 =	vsel vm3, $0x1, v6  }
0x3d: {  	s9 =	simm.s32 $0x20;
	s8 =	simm.s32 $0x70;
	s5 =	sand.u32 $0x800, s31;
	v18 =	vsel vm2, $0x1000000, v6;
	v15 =	vor.u32 v20, v16;
	v16 =	vsel vm0, $0x1000000, v6  }
0x3e: {  	s7 =	simm.s32 $0x200;
	s6 =	simm.s32 $0x30;
	s5 =	sor.u32 $0x80, s5;
	v19 =	vor.u32 v19, v21;
	v20 =	vsel vm1, $0x10000, v6;
	vm0 =	vlt.f32 v9, v17  }
.LBB2_2:
0x3f: {  	s12 =	sand.u32 $0x60, s9;
	s9 =	smov.u32 s13  }
0x40: {  	s11 =	sadd.s32 $0x1, s13;
	s14 =	sadd.s32 $0x2, s13;
	vm1 =	vlt.f32 v8, v17;
	vm2 =	vlt.f32 v12, v17;
	v19 =	vor.u32 v20, v19;
	s9 =	smov.u32 s7  }
0x41: {  	s15 =	scvt.s32.f32 s13;
	vm3 =	vlt.f32 v11, v17;
	v15 =	vor.u32 v16, v15;
	s16 =	scvt.s32.f32 s11;
	s11 =	sadd.s32 $0x3, s13;
	v16 =	vor.u32 v18, v19  }
0x42: {  	v17 =	vsel vm0, $0x100, v6;
	v14 =	vsub.f32 $1.000000000e+00, v14;
	s14 =	scvt.s32.f32 s14;
	v18 =	vsel vm3, $0x10000, v6;
	s17 =	scvt.s32.f32 s11;
	s11 =	sadd.s32 $0x4, s13  }
0x43: {  	p0 =	slt.u32 s13, $0xC;
	v21 =	vsel vm1, $0x1, v6;
	v19 =	vmov s15;
	v20 =	vmov s16  }
0x44: {  	v17 =	vor.u32 v21, v17;
	v22 =	vmov s14;
	v20 =	vadd.f32 s16, v20  }
0x45: {  	v23 =	vsel vm2, $0x1000000, v6;
	v21 =	vadd.f32 s14, v22;
	v22 =	vmov s17  }
0x46: {  	vm0 =	vlt.f32 v8, v14;
	v22 =	vadd.f32 s17, v22;
	v20 =	vbroadcast v20, $0x0  }
0x47: {  	vm1 =	vlt.f32 v9, v14;
	v19 =	vadd.f32 s15, v19;
	v21 =	vbroadcast v21, $0x0  }
0x48: {  	vm2 =	vlt.f32 v12, v14;
	v22 =	vbroadcast v22, $0x0;
	v20 =	vsub.f32 v10, v20  }
0x49: {  	vm3 =	vlt.f32 v11, v14;
	v19 =	vbroadcast v19, $0x0;
	v21 =	vsub.f32 v10, v21  }
0x4a: {  	v14 =	vmul.f32 v20, v20;
	v20 =	vsub.f32 v10, v22;
	v22 =	vsel vm3, $0x10000, v6  }
0x4b: {  	v24 =	vsel vm0, $0x1, v6;
	v25 =	vsel vm2, $0x1000000, v6;
	v21 =	vmul.f32 v21, v21  }
0x4c: {  	v17 =	vor.u32 v18, v17;
	v19 =	vsub.f32 v10, v19;
	v14 =	vmul.f32 v14, v13  }
0x4d: {  	v18 =	vmul.f32 v21, v13;
	v20 =	vmul.f32 v20, v20;
	v21 =	vsel vm1, $0x100, v6  }
0x4e: {  	v19 =	vmul.f32 v19, v19;
	v21 =	vor.u32 v24, v21;
	v26 =	vsub.f32 $1.000000000e+00, v14  }
0x4f: {  	s13 =	sadd.s32 $0xFFFFFFE0, s6;
	s14 =	sand.u32 $0x70, s6;
	v18 =	vsub.f32 $1.000000000e+00, v18;
	v14 =	vmul.f32 v20, v13;
	v20 =	vor.u32 v22, v21  }
0x50: {  	s10 =	sadd.s32 s10, s5;
	s13 =	sand.u32 $0x50, s13;
	s6 =	sadd.s32 $0xFFFFFFD0, s6;
	v21 =	vor.u32 v23, v17;
	vm0 =	vlt.f32 v8, v26;
	vm1 =	vlt.f32 v9, v26  }
0x51: {  	s12 =	sadd.s32 s12, s10;
	s13 =	sadd.s32 s13, s10;
	s14 =	sadd.s32 s14, s10;
	v17 =	vor.u32 v25, v20;
	vm2 =	vlt.f32 v11, v26;
	vm3 =	vlt.f32 v9, v18  }
0x52: {  	s15 =	sand.u32 $0x40, s6;
	s6 =	smov.u32 s8;
	v19 =	vmul.f32 v19, v13;
	v20 =	vsel vm0, $0x1, v6;
	v22 =	vsel vm1, $0x100, v6;
	[tilespmem:v7+s12+$0x0 ss:$0x1] =	vst.idx.msk $0xffff, v16  }
.Ltmp0:
0x53: {  	s10 =	sadd.s32 s15, s10;
	vm0 =	vlt.f32 v12, v26;
	vm1 =	vlt.f32 v11, v18;
	v16 =	vsel vm2, $0x10000, v6;
	[tilespmem:v7+s14+$0x0 ss:$0x1] =	vst.idx.msk $0xffff, v17;
	(pc) =	sbr.rel @p0 .LBB2_2-.Ltmp0, $4  }
0x54: {  	v20 =	vor.u32 v20, v22;
	v22 =	vsel vm3, $0x100, v6;
	vm2 =	vlt.f32 v12, v18;
	[tilespmem:v7+s13+$0x0 ss:$0x1] =	vst.idx.msk $0xffff, v15  }
0x55: {  	vm3 =	vlt.f32 v8, v18;
	v17 =	vsub.f32 $1.000000000e+00, v19;
	v15 =	vor.u32 v16, v20;
	[tilespmem:v7+s10+$0x0 ss:$0x1] =	vst.idx.msk $0xffff, v21  }
0x56: {  	s7 =	sadd.s32 $0x200, s7;
	s8 =	sadd.s32 $0x40, s8;
	v19 =	vsel vm3, $0x1, v6;
	v18 =	vsel vm2, $0x1000000, v6;
	v16 =	vsel vm0, $0x1000000, v6  }
0x57: {  	v19 =	vor.u32 v19, v22;
	v20 =	vsel vm1, $0x10000, v6;
	s13 =	smov.u32 s11;
	vm0 =	vlt.f32 v9, v17;
	s10 =	sand.u32 $0x400, s9;
	s9 =	sadd.s32 $0xFFFFFFF0, s6  }
0x58: {  	v10 =	vsub.f32 $1.000000000e+00, v14;
	vm1 =	vlt.f32 v8, v17;
	vm2 =	vlt.f32 v12, v17  }
0x59: {  	v13 =	vor.u32 v20, v19;
	v57 =	vsel vm0, $0x100, v6;
	vm3 =	vlt.f32 v11, v17  }
0x5a: {  	v62 =	vor.u32 v16, v15;
	v58 =	vor.u32 v18, v13;
	v60 =	vsel vm1, $0x1, v6  }
0x5b: {  	s7 =	sand.u32 $0x60, s9;
	s4 =	sadd.s32 $0x1, s4;
	v61 =	vsel vm3, $0x10000, v6;
	vm12 =	vlt.f32 v8, v10;
	vm13 =	vlt.f32 v9, v10  }
0x5c: {  	s5 =	sadd.s32 s10, s5;
	s8 =	sadd.s32 $0xFFFFFFE0, s6;
	p0 =	sne.s32 s4, $0x10;
	vm14 =	vlt.f32 v11, v10;
	v8 =	vsel vm12, $0x1, v6;
	v59 =	vsel vm13, $0x100, v6  }
.Ltmp1:
0x5d: {  	s7 =	sadd.s32 s7, s5;
	s8 =	sand.u32 $0x50, s8;
	vm15 =	vlt.f32 v12, v10;
	v11 =	vsel vm14, $0x10000, v6;
	v8 =	vor.u32 v8, v59;
	(pc) =	sbr.rel @p0 .LBB2_1-.Ltmp1, $4  }
0x5e: {  	s29 =	sand.u32 $0x70, s6;
	s30 =	sadd.s32 $0xFFFFFFD0, s6;
	v10 =	vor.u32 v60, v57;
	[tilespmem:v7+s7+$0x0 ss:$0x1] =	vst.idx.msk $0xffff, v58;
	s31 =	sadd.s32 s8, s5;
	v12 =	vsel vm15, $0x1000000, v6;
	v8 =	vor.u32 v11, v8  }
0x5f: {  	s9 =	sadd.s32 s29, s5;
	v63 =	vsel vm2, $0x1000000, v6;
	s6 =	sand.u32 $0x40, s30;
	v10 =	vor.u32 v61, v10;
	[tilespmem:v7+s31+$0x0 ss:$0x1] =	vst.idx.msk $0xffff, v62;
	v8 =	vor.u32 v12, v8  }
0x60: {  	s5 =	sadd.s32 s6, s5;
	[tilespmem:v7+s9+$0x0 ss:$0x1] =	vst.idx.msk $0xffff, v8;
	v8 =	vor.u32 v63, v10  }
0x61: {  	[tilespmem:v7+s5+$0x0 ss:$0x1] =	vst.idx.msk $0xffff, v8  }
0x62: {  	s2 =	sshll.u32 s3, $0x9;
	s30 =	simm.s32 $0x0  }
0x63: {  	s4 =	simm.s32 $0x80;
	s31 =	simm.s32 $0x1;
	s1 =	sadd.s32 s1, s2  }
0x64: {  	[hbm4b:s1+s30] =	stream.linear.scatter [tilespmem:s4], [sflag:$0x1], $0x1000, $0x38;
	[tilespmem:$0x1080] =	vst v63  }
0x65: {  	_ =	swait.ge [sflag:s31], $0x1000  }
0x66: {  	[sflag:s31] =	ssyncset.done $0x0  }
0x67: {  	[sflag:s31] =	ssyncadd.s32 $0xFFFFF000  }
0x68: {  	_ =	sfence.sel $0x180000  }
0x69: {  	[bflag:$0x0] =	sbarrier.arrive $0xFFFF  }
0x6a: {  	p0 =	sne.s32 s3, $0x0;
	_ =	strace $0x90000047  }
0x6b: {  	s0 =	sadd.s32 @!p0 $0x100000, s0;
	[bflag:$0x2] =	sbarrier.arrive $0xFFFF  }
0x6c: {  	[sflag:s0] =	ssyncadd.tile.s32 @!p0 $0x1;
	_ =	shalt  }
.Lfunc_end2:
_tile_overlayer_lowered:
.L_overlay_start_2:
0x6d: {  	(tag) =	ssettag $0x2  }
0x6e: {  	s0 =	rddreg [dreg:$0x0];
	s2 =	stileid.u32  }
0x6f: {  	s1 =	rddreg [dreg:$0x1];
	p0 =	sne.s32 s2, $0x0  }
0x70: {  	s3 =	rddreg [dreg:$0x2];
	[bflag:$0x3] =	sbarrier.arrive $0xFFFF;
	s2 =	simm.s32 @!p0 $0x1C01  }
0x71: {  	[timem:s3], [sflag:s2] =	dma.local @!p0 [hbm:s0], s1  }
0x72: {  	s0 =	simm.s32 @!p0 $0x1  }
0x73: {  	_ =	swait.ge @!p0 [sflag:s0], s1  }
0x74: {  	s1 =	ssub.s32 @!p0 $0x0, s1;
	[sflag:s0] =	ssyncset.done @!p0 $0x0  }
0x75: {  	[sflag:s0] =	ssyncadd.s32 @!p0 s1  }
0x76: {  	[bflag:$0x3] =	sbarrier.arrive $0xFFFF  }
0x77: {  	_ =	shalt  }

</sc_bundles>
